<compile_context>
chip_gen: v7x
topology: tpu7x:2x2x1
jax: 0.10.2.dev20260603
libtpu: 0.0.44.dev20260713+nightly
codegen_flags: <defaults>
</compile_context>

<pallas_src>
import functools

import jax
import jax.numpy as jnp
from jax import lax
from jax.experimental import pallas as pl
from jax.experimental.pallas import tpu as pltpu
from jax.experimental.pallas import tpu_sc as plsc

T = 512
H = 1024
I = 512
E = 16
A = 2 * T
B = 128
NB = 23
NBP = NB * B


def _router_body(x_ref, gw_ref, gb_ref, pw_ref, meta_ref):
    x = x_ref[...]
    logits = lax.dot_general(x, gw_ref[...], (((1,), (0,)), ((), ())),
                             preferred_element_type=jnp.float32) + gb_ref[...]
    z = logits - jnp.max(logits, axis=1, keepdims=True)
    ez = jnp.exp(z)
    rw = ez / jnp.sum(ez, axis=1, keepdims=True)
    lane = lax.broadcasted_iota(jnp.int32, (T, E), 1)
    m1 = jnp.max(rw, axis=1, keepdims=True)
    e0 = jnp.min(jnp.where(rw == m1, lane, E), axis=1, keepdims=True)
    oh0 = (lane == e0)
    rwx = jnp.where(oh0, -jnp.inf, rw)
    m2 = jnp.max(rwx, axis=1, keepdims=True)
    e1 = jnp.min(jnp.where(rwx == m2, lane, E), axis=1, keepdims=True)
    oh1 = (lane == e1)
    s12 = m1 + m2
    w0 = m1 / s12
    w1 = m2 / s12
    oh0f = oh0.astype(jnp.float32)
    oh1f = oh1.astype(jnp.float32)
    oh = oh0f + oh1f
    ri = lax.broadcasted_iota(jnp.int32, (T, T), 0)
    ci = lax.broadcasted_iota(jnp.int32, (T, T), 1)
    ls = (ri > ci).astype(jnp.float32)
    cnt = lax.dot_general(ls, oh, (((1,), (0,)), ((), ())),
                          preferred_element_type=jnp.float32)
    tot_r = jnp.sum(oh, axis=0, keepdims=True)
    nbe_r = jnp.floor((tot_r + (B - 1.0)) / B)
    uei = lax.broadcasted_iota(jnp.int32, (E, E), 0)
    uec = lax.broadcasted_iota(jnp.int32, (E, E), 1)
    us = (uei < uec).astype(jnp.float32)
    excl_r = lax.dot_general(nbe_r, us, (((1,), (0,)), ((), ())),
                             preferred_element_type=jnp.float32)
    base = excl_r * float(B) + cnt
    p0 = jnp.sum(oh0f * base, axis=1, keepdims=True)
    p1 = jnp.sum(oh1f * base, axis=1, keepdims=True)
    pw_ref[...] = jnp.concatenate([p0, p1, w0, w1], axis=1)
    tot_c = lax.dot_general(oh, jnp.ones((T, 1), jnp.float32),
                            (((0,), (0,)), ((), ())),
                            preferred_element_type=jnp.float32)
    nbe_c = jnp.floor((tot_c + (B - 1.0)) / B)
    lci = lax.broadcasted_iota(jnp.int32, (E, E), 0)
    lcc = lax.broadcasted_iota(jnp.int32, (E, E), 1)
    lsE = (lci > lcc).astype(jnp.float32)
    excl_c = lax.dot_general(lsE, nbe_c, (((1,), (0,)), ((), ())),
                             preferred_element_type=jnp.float32)
    cum_incl = excl_c + nbe_c
    nb_total = jnp.sum(nbe_r)
    biota = lax.broadcasted_iota(jnp.int32, (E, 32), 1).astype(jnp.float32)
    bc = jnp.minimum(biota, nb_total - 1.0)
    blk = jnp.sum((cum_incl <= bc).astype(jnp.int32), axis=0, keepdims=True)
    lane32 = lax.broadcasted_iota(jnp.int32, (1, 32), 1)
    meta_ref[...] = jnp.where(lane32 == 31, nb_total.astype(jnp.int32), blk)


def _scatter_body(pos_hbm, wgt_hbm, tv_hbm, zi_hbm, zf_hbm, tok_out, wgt_out,
                  pos_v, win_v, tv_v, tok_v, wp_v):
    c = lax.axis_index("c")
    s = lax.axis_index("s")

    @pl.when((c == 0) & (s == 0))
    def _work():
        pltpu.sync_copy(pos_hbm, pos_v)
        pltpu.sync_copy(wgt_hbm, win_v)
        pltpu.sync_copy(tv_hbm, tv_v)
        pltpu.sync_copy(zi_hbm, tok_v)
        pltpu.sync_copy(zf_hbm, wp_v)

        def chunk(ci, carry):
            idx = pos_v[pl.ds(ci * 16, 16)]
            wv = win_v[pl.ds(ci * 16, 16)]
            tv = tv_v[pl.ds(ci * 16, 16)]
            plsc.store_scatter(tok_v, [idx], tv)
            plsc.store_scatter(wp_v, [idx], wv)
            return carry

        lax.fori_loop(0, A // 16, chunk, 0)
        pltpu.sync_copy(tok_v, tok_out)
        pltpu.sync_copy(wp_v, wgt_out)


def _ffn_body(meta_ref, tok_ref, wgt_ref, x_ref, w1_ref, w2_ref, w3_ref,
              out_ref):
    b = pl.program_id(0)
    nb = meta_ref[31]

    @pl.when(b == 0)
    def _init():
        out_ref[...] = jnp.zeros_like(out_ref)

    @pl.when(b < nb)
    def _block():
        tok = tok_ref[0]
        ti = lax.broadcasted_iota(jnp.int32, (T, B), 0)
        gt = (tok == ti).astype(jnp.float32)
        xb = lax.dot_general(gt, x_ref[...], (((0,), (0,)), ((), ())),
                             preferred_element_type=jnp.float32)
        h1 = lax.dot_general(xb, w1_ref[0], (((1,), (1,)), ((), ())),
                             preferred_element_type=jnp.float32)
        h3 = lax.dot_general(xb, w3_ref[0], (((1,), (1,)), ((), ())),
                             preferred_element_type=jnp.float32)
        hh = h1 * jax.nn.sigmoid(h1) * h3
        y = lax.dot_general(hh, w2_ref[0], (((1,), (1,)), ((), ())),
                            preferred_element_type=jnp.float32)
        gw = gt * wgt_ref[0]
        out_ref[...] += lax.dot_general(gw, y, (((1,), (0,)), ((), ())),
                                        preferred_element_type=jnp.float32)


def _router_call(x, gate_w, gb2):
    return pl.pallas_call(
        _router_body,
        in_specs=[
            pl.BlockSpec((T, H), lambda: (0, 0)),
            pl.BlockSpec((H, E), lambda: (0, 0)),
            pl.BlockSpec((1, E), lambda: (0, 0)),
        ],
        out_specs=[
            pl.BlockSpec((T, 4), lambda: (0, 0)),
            pl.BlockSpec((1, 32), lambda: (0, 0)),
        ],
        out_shape=[
            jax.ShapeDtypeStruct((T, 4), jnp.float32),
            jax.ShapeDtypeStruct((1, 32), jnp.int32),
        ],
    )(x, gate_w, gb2)


def _scatter_call(pos_i, wgt_f, tvals, zi, zf):
    mesh = plsc.VectorSubcoreMesh(core_axis_name="c", subcore_axis_name="s")
    f = pl.kernel(
        _scatter_body,
        mesh=mesh,
        out_type=[
            jax.ShapeDtypeStruct((NBP,), jnp.int32),
            jax.ShapeDtypeStruct((NBP,), jnp.float32),
        ],
        scratch_types=[
            pltpu.VMEM((A,), jnp.int32),
            pltpu.VMEM((A,), jnp.float32),
            pltpu.VMEM((A,), jnp.int32),
            pltpu.VMEM((NBP,), jnp.int32),
            pltpu.VMEM((NBP,), jnp.float32),
        ],
        compiler_params=pltpu.CompilerParams(needs_layout_passes=False),
    )
    return f(pos_i, wgt_f, tvals, zi, zf)


def _ffn_call(meta, tok3, wgt3, x, w1, w2, w3):
    grid_spec = pltpu.PrefetchScalarGridSpec(
        num_scalar_prefetch=1,
        grid=(NB,),
        in_specs=[
            pl.BlockSpec((1, 1, B), lambda b, m: (b, 0, 0)),
            pl.BlockSpec((1, 1, B), lambda b, m: (b, 0, 0)),
            pl.BlockSpec((T, H), lambda b, m: (0, 0)),
            pl.BlockSpec((1, I, H), lambda b, m: (m[b], 0, 0)),
            pl.BlockSpec((1, H, I), lambda b, m: (m[b], 0, 0)),
            pl.BlockSpec((1, I, H), lambda b, m: (m[b], 0, 0)),
        ],
        out_specs=pl.BlockSpec((T, H), lambda b, m: (0, 0)),
    )
    return pl.pallas_call(
        _ffn_body,
        grid_spec=grid_spec,
        out_shape=jax.ShapeDtypeStruct((T, H), jnp.float32),
        compiler_params=pltpu.CompilerParams(
            dimension_semantics=("arbitrary",)),
    )(meta, tok3, wgt3, x, w1, w2, w3)


@jax.jit
def kernel(x, gate_w, gate_b, w1, w2, w3):
    gb2 = gate_b.reshape(1, E)
    pw, meta = _router_call(x, gate_w, gb2)
    pos_i = pw[:, :2].reshape(A).astype(jnp.int32)
    wgt_f = pw[:, 2:4].reshape(A)
    tvals = jnp.arange(A, dtype=jnp.int32) // 2
    zi = jnp.zeros((NBP,), jnp.int32)
    zf = jnp.zeros((NBP,), jnp.float32)
    tok_pad, wgt_pad = _scatter_call(pos_i, wgt_f, tvals, zi, zf)
    tok3 = tok_pad.reshape(NB, 1, B)
    wgt3 = wgt_pad.reshape(NB, 1, B)
    return _ffn_call(meta.reshape(32), tok3, wgt3, x, w1, w2, w3)

# --- scband reference (transcript-rebuilt; emitter-appended) ---
"""Pipeline reference for scband-mo-eop-model-nvfp4-10316511445241 (READ-ONLY COPY).

The authoritative reference and input builder live on the scoring server;
editing this copy changes nothing except your own understanding.
"""

import jax, jax.numpy as jnp
import numpy as np

T = 512
H = 1024
I = 512
E = 16
TOP_K = 2


def setup_inputs(seed: int = 0) -> dict:
    key = jax.random.key(seed)
    ks = jax.random.split(key, 6)
    x = jax.random.normal(ks[0], (T, H), dtype=jnp.float32) * 0.01
    gate_w = jax.random.normal(ks[1], (H, E), dtype=jnp.float32) * 0.02
    gate_b = jnp.zeros((E,), dtype=jnp.float32)
    # Per-expert gated-MLP weights (dequantized-equivalent of NVFP4 fp4 weights)
    w1 = jax.random.normal(ks[2], (E, I, H), dtype=jnp.float32) * 0.01
    w2 = jax.random.normal(ks[3], (E, H, I), dtype=jnp.float32) * 0.01
    w3 = jax.random.normal(ks[4], (E, I, H), dtype=jnp.float32) * 0.01
    return {"x": x, "gate_w": gate_w, "gate_b": gate_b, "w1": w1, "w2": w2, "w3": w3}


def reference(x, gate_w, gate_b, w1, w2, w3):
    # Router
    router_logits = x @ gate_w + gate_b
    routing_weights = jax.nn.softmax(router_logits.astype(jnp.float32), axis=1)
    topk_vals, selected_experts = jax.lax.top_k(routing_weights, TOP_K)
    topk_vals = topk_vals / jnp.sum(topk_vals, axis=-1, keepdims=True)
    topk_vals = topk_vals.astype(x.dtype)
    # Scatter normalized routing weights into a dense [T, E] combine matrix
    comb = jnp.zeros((T, E), dtype=x.dtype)
    comb = comb.at[jnp.arange(T)[:, None], selected_experts].add(topk_vals)
    # Gated MLP per expert: y_e = (silu(x @ w1_e^T) * (x @ w3_e^T)) @ w2_e^T
    h1 = jnp.einsum('th,eih->tei', x, w1)
    h3 = jnp.einsum('th,eih->tei', x, w3)
    h = jax.nn.silu(h1) * h3
    y = jnp.einsum('tei,ehi->teh', h, w2)
    out = jnp.einsum('te,teh->th', comb, y)
    return out

if __name__ == "__main__":
    import jax
    _d = setup_inputs()
    print(jax.jit(kernel)(*tuple(_d.values())))

</pallas_src>

<mosaic_0001>
#map = affine_map<(d0, d1) -> (0)>
module attributes {stable_mosaic.version = 14 : i64} {
  func.func @_scatter_body(%arg0: i32, %arg1: i32, %arg2: memref<1024xi32, #tpu.memory_space<hbm>>, %arg3: memref<1024xf32, #tpu.memory_space<hbm>>, %arg4: memref<1024xi32, #tpu.memory_space<hbm>>, %arg5: memref<2944xi32, #tpu.memory_space<hbm>>, %arg6: memref<2944xf32, #tpu.memory_space<hbm>>, %arg7: memref<2944xi32, #tpu.memory_space<hbm>>, %arg8: memref<2944xf32, #tpu.memory_space<hbm>>, %arg9: memref<1024xi32, #tpu.memory_space<vmem>>, %arg10: memref<1024xf32, #tpu.memory_space<vmem>>, %arg11: memref<1024xi32, #tpu.memory_space<vmem>>, %arg12: memref<2944xi32, #tpu.memory_space<vmem>>, %arg13: memref<2944xf32, #tpu.memory_space<vmem>>) attributes {dimension_semantics = [#tpu.dimension_semantics<core_parallel>, #tpu.dimension_semantics<subcore_parallel>], iteration_bounds = array<i64: 2, 16>, scalar_prefetch = 0 : i64, scratch_operands = 5 : i64, tpu.core_type = #tpu.core_type<sc_vector_subcore>, window_params = [{transform_indices = #map}, {transform_indices = #map}, {transform_indices = #map}, {transform_indices = #map}, {transform_indices = #map}, {transform_indices = #map}, {transform_indices = #map}]} {
    %eq3A = arith.constant 0 : i32
    %eq3A_0 = arith.cmpi eq, %arg0, %eq3A : i32
    %eq3A_1 = arith.constant 0 : i32
    %eq3A_2 = arith.cmpi eq, %arg1, %eq3A_1 : i32
    %and3A = arith.andi %eq3A_0, %eq3A_2 : i1
    %convert_element_type3A = arith.extui %and3A : i1 to i32
    %cond3A = arith.constant 0 : i32
    %cond3A_3 = arith.cmpi ne, %convert_element_type3A, %cond3A : i32
    scf.if %cond3A_3 {
      "tpu.region"() ({
        %run_scoped3A = tpu.sem_alloc : memref<!tpu.dma_semaphore, #tpu.memory_space<semaphore_mem>>
        tpu.enqueue_dma source(%arg2 : memref<1024xi32, #tpu.memory_space<hbm>>) target(%arg9 : memref<1024xi32, #tpu.memory_space<vmem>>) target_semaphore(%run_scoped3A : memref<!tpu.dma_semaphore, #tpu.memory_space<semaphore_mem>>)
        tpu.wait_dma2 semaphore(%run_scoped3A : memref<!tpu.dma_semaphore, #tpu.memory_space<semaphore_mem>>) src(%arg2 : memref<1024xi32, #tpu.memory_space<hbm>>) dst(%arg9 : memref<1024xi32, #tpu.memory_space<vmem>>)
        tpu.yield
      }) : () -> ()
      "tpu.region"() ({
        %run_scoped3A = tpu.sem_alloc : memref<!tpu.dma_semaphore, #tpu.memory_space<semaphore_mem>>
        tpu.enqueue_dma source(%arg3 : memref<1024xf32, #tpu.memory_space<hbm>>) target(%arg10 : memref<1024xf32, #tpu.memory_space<vmem>>) target_semaphore(%run_scoped3A : memref<!tpu.dma_semaphore, #tpu.memory_space<semaphore_mem>>)
        tpu.wait_dma2 semaphore(%run_scoped3A : memref<!tpu.dma_semaphore, #tpu.memory_space<semaphore_mem>>) src(%arg3 : memref<1024xf32, #tpu.memory_space<hbm>>) dst(%arg10 : memref<1024xf32, #tpu.memory_space<vmem>>)
        tpu.yield
      }) : () -> ()
      "tpu.region"() ({
        %run_scoped3A = tpu.sem_alloc : memref<!tpu.dma_semaphore, #tpu.memory_space<semaphore_mem>>
        tpu.enqueue_dma source(%arg4 : memref<1024xi32, #tpu.memory_space<hbm>>) target(%arg11 : memref<1024xi32, #tpu.memory_space<vmem>>) target_semaphore(%run_scoped3A : memref<!tpu.dma_semaphore, #tpu.memory_space<semaphore_mem>>)
        tpu.wait_dma2 semaphore(%run_scoped3A : memref<!tpu.dma_semaphore, #tpu.memory_space<semaphore_mem>>) src(%arg4 : memref<1024xi32, #tpu.memory_space<hbm>>) dst(%arg11 : memref<1024xi32, #tpu.memory_space<vmem>>)
        tpu.yield
      }) : () -> ()
      "tpu.region"() ({
        %run_scoped3A = tpu.sem_alloc : memref<!tpu.dma_semaphore, #tpu.memory_space<semaphore_mem>>
        tpu.enqueue_dma source(%arg5 : memref<2944xi32, #tpu.memory_space<hbm>>) target(%arg12 : memref<2944xi32, #tpu.memory_space<vmem>>) target_semaphore(%run_scoped3A : memref<!tpu.dma_semaphore, #tpu.memory_space<semaphore_mem>>)
        tpu.wait_dma2 semaphore(%run_scoped3A : memref<!tpu.dma_semaphore, #tpu.memory_space<semaphore_mem>>) src(%arg5 : memref<2944xi32, #tpu.memory_space<hbm>>) dst(%arg12 : memref<2944xi32, #tpu.memory_space<vmem>>)
        tpu.yield
      }) : () -> ()
      "tpu.region"() ({
        %run_scoped3A = tpu.sem_alloc : memref<!tpu.dma_semaphore, #tpu.memory_space<semaphore_mem>>
        tpu.enqueue_dma source(%arg6 : memref<2944xf32, #tpu.memory_space<hbm>>) target(%arg13 : memref<2944xf32, #tpu.memory_space<vmem>>) target_semaphore(%run_scoped3A : memref<!tpu.dma_semaphore, #tpu.memory_space<semaphore_mem>>)
        tpu.wait_dma2 semaphore(%run_scoped3A : memref<!tpu.dma_semaphore, #tpu.memory_space<semaphore_mem>>) src(%arg6 : memref<2944xf32, #tpu.memory_space<hbm>>) dst(%arg13 : memref<2944xf32, #tpu.memory_space<vmem>>)
        tpu.yield
      }) : () -> ()
      %scan3A = arith.constant 0 : i32
      %scan3A_4 = arith.constant 0 : i32
      %scan3A_5 = arith.constant 64 : i32
      %scan3A_6 = arith.addi %scan3A_4, %scan3A_5 : i32
      %scan3A_7 = arith.constant 1 : i32
      scf.for %scan3A_9 = %scan3A_4 to %scan3A_6 step %scan3A_7  : i32 {
        %mul3A = arith.constant 16 : i32
        %mul3A_10 = arith.muli %scan3A_9, %mul3A : i32
        %get3A = arith.index_cast %mul3A_10 : i32 to index
        %get3A_11 = tpu.vector_load %arg9[%get3A] {strides = array<i32>} : memref<1024xi32, #tpu.memory_space<vmem>>, vector<16xi32>,
        %mul3A_12 = arith.constant 16 : i32
        %mul3A_13 = arith.muli %scan3A_9, %mul3A_12 : i32
        %get3A_14 = arith.index_cast %mul3A_13 : i32 to index
        %get3A_15 = tpu.vector_load %arg10[%get3A_14] {strides = array<i32>} : memref<1024xf32, #tpu.memory_space<vmem>>, vector<16xf32>,
        %mul3A_16 = arith.constant 16 : i32
        %mul3A_17 = arith.muli %scan3A_9, %mul3A_16 : i32
        %get3A_18 = arith.index_cast %mul3A_17 : i32 to index
        %get3A_19 = tpu.vector_load %arg11[%get3A_18] {strides = array<i32>} : memref<1024xi32, #tpu.memory_space<vmem>>, vector<16xi32>,
        tpu.vector_store_idx %arg12[%get3A_11], %get3A_19 : memref<2944xi32, #tpu.memory_space<vmem>>[vector<16xi32>], vector<16xi32>,
        tpu.vector_store_idx %arg13[%get3A_11], %get3A_15 : memref<2944xf32, #tpu.memory_space<vmem>>[vector<16xi32>], vector<16xf32>,
      }
      %scan3A_8 = arith.constant 64 : i32
      "tpu.region"() ({
        %run_scoped3A = tpu.sem_alloc : memref<!tpu.dma_semaphore, #tpu.memory_space<semaphore_mem>>
        tpu.enqueue_dma source(%arg12 : memref<2944xi32, #tpu.memory_space<vmem>>) target(%arg7 : memref<2944xi32, #tpu.memory_space<hbm>>) target_semaphore(%run_scoped3A : memref<!tpu.dma_semaphore, #tpu.memory_space<semaphore_mem>>)
        tpu.wait_dma2 semaphore(%run_scoped3A : memref<!tpu.dma_semaphore, #tpu.memory_space<semaphore_mem>>) src(%arg12 : memref<2944xi32, #tpu.memory_space<vmem>>) dst(%arg7 : memref<2944xi32, #tpu.memory_space<hbm>>)
        tpu.yield
      }) : () -> ()
      "tpu.region"() ({
        %run_scoped3A = tpu.sem_alloc : memref<!tpu.dma_semaphore, #tpu.memory_space<semaphore_mem>>
        tpu.enqueue_dma source(%arg13 : memref<2944xf32, #tpu.memory_space<vmem>>) target(%arg8 : memref<2944xf32, #tpu.memory_space<hbm>>) target_semaphore(%run_scoped3A : memref<!tpu.dma_semaphore, #tpu.memory_space<semaphore_mem>>)
        tpu.wait_dma2 semaphore(%run_scoped3A : memref<!tpu.dma_semaphore, #tpu.memory_space<semaphore_mem>>) src(%arg13 : memref<2944xf32, #tpu.memory_space<vmem>>) dst(%arg8 : memref<2944xf32, #tpu.memory_space<hbm>>)
        tpu.yield
      }) : () -> ()
    } else {
    }
    return
  }
}

module attributes {stable_mosaic.version = 14 : i64} {
  func.func @_router_body(%arg0: memref<512x1024xf32, #tpu.memory_space<vmem>>, %arg1: memref<1024x16xf32, #tpu.memory_space<vmem>>, %arg2: memref<1x16xf32, #tpu.memory_space<vmem>>, %arg3: memref<512x4xf32, #tpu.memory_space<vmem>>, %arg4: memref<1x32xi32, #tpu.memory_space<vmem>>) attributes {dimension_semantics = [], scalar_prefetch = 0 : i64, scratch_operands = 0 : i64, tpu.core_type = #tpu.core_type<tc>} {
    %get3A = arith.constant 0 : index
    %get3A_0 = arith.constant 0 : index
    %get3A_1 = vector.load %arg0[%get3A, %get3A_0] : memref<512x1024xf32, #tpu.memory_space<vmem>>, vector<512x1024xf32>
    %get3A_2 = arith.constant 0 : index
    %get3A_3 = arith.constant 0 : index
    %get3A_4 = vector.load %arg1[%get3A_2, %get3A_3] : memref<1024x16xf32, #tpu.memory_space<vmem>>, vector<1024x16xf32>
    %dot_general3A = arith.constant dense<0.000000e+00> : vector<512x16xf32>
    %dot_general3A_5 = tpu.matmul %get3A_1, %get3A_4, %dot_general3A {dimension_numbers = #tpu.dot_dimension_numbers<[1], [0], [0], [1], [0, 0, 1, 1], [], []>, transpose_lhs_hint = false} : vector<512x1024xf32>, vector<1024x16xf32>, vector<512x16xf32> -> vector<512x16xf32>
    %get3A_6 = arith.constant 0 : index
    %get3A_7 = arith.constant 0 : index
    %get3A_8 = vector.load %arg2[%get3A_6, %get3A_7] : memref<1x16xf32, #tpu.memory_space<vmem>>, vector<1x16xf32>
    %add3A = vector.broadcast %get3A_8 : vector<1x16xf32> to vector<512x16xf32>
    %add3A_9 = arith.addf %dot_general3A_5, %add3A : vector<512x16xf32>
    %reduce_max3A = arith.constant dense<0xFF800000> : vector<512xf32>
    %reduce_max3A_10 = vector.multi_reduction <maximumf>, %add3A_9, %reduce_max3A [1] : vector<512x16xf32> to vector<512xf32>
    %broadcast_in_dim3A = vector.shape_cast %reduce_max3A_10 : vector<512xf32> to vector<512x1xf32>
    %sub3A = vector.broadcast %broadcast_in_dim3A : vector<512x1xf32> to vector<512x16xf32>
    %sub3A_11 = arith.subf %add3A_9, %sub3A : vector<512x16xf32>
    %exp3A = math.exp %sub3A_11 : vector<512x16xf32>
    %reduce_sum3A = arith.constant dense<0.000000e+00> : vector<512xf32>
    %reduce_sum3A_12 = vector.multi_reduction <add>, %exp3A, %reduce_sum3A [1] : vector<512x16xf32> to vector<512xf32>
    %broadcast_in_dim3A_13 = vector.shape_cast %reduce_sum3A_12 : vector<512xf32> to vector<512x1xf32>
    %div3A = vector.broadcast %broadcast_in_dim3A_13 : vector<512x1xf32> to vector<512x16xf32>
    %div3A_14 = arith.divf %exp3A, %div3A : vector<512x16xf32>
    %iota3A = tpu.iota {dimensions = array<i32: 1>} : vector<512x16xi32>
    %reduce_max3A_15 = arith.constant dense<0xFF800000> : vector<512xf32>
    %reduce_max3A_16 = vector.multi_reduction <maximumf>, %div3A_14, %reduce_max3A_15 [1] : vector<512x16xf32> to vector<512xf32>
    %broadcast_in_dim3A_17 = vector.shape_cast %reduce_max3A_16 : vector<512xf32> to vector<512x1xf32>
    %eq3A = vector.broadcast %broadcast_in_dim3A_17 : vector<512x1xf32> to vector<512x16xf32>
    %eq3A_18 = arith.cmpf oeq, %div3A_14, %eq3A : vector<512x16xf32>
    %jit3A = arith.constant 16 : i32
    %broadcast_in_dim3A_19 = vector.broadcast %jit3A : i32 to vector<512x16xi32>
    %select_n3A = arith.select %eq3A_18, %iota3A, %broadcast_in_dim3A_19 : vector<512x16xi1>, vector<512x16xi32>
    %reduce_min3A = arith.constant dense<2147483647> : vector<512xi32>
    %reduce_min3A_20 = vector.multi_reduction <minsi>, %select_n3A, %reduce_min3A [1] : vector<512x16xi32> to vector<512xi32>
    %broadcast_in_dim3A_21 = vector.shape_cast %reduce_min3A_20 : vector<512xi32> to vector<512x1xi32>
    %eq3A_22 = vector.broadcast %broadcast_in_dim3A_21 : vector<512x1xi32> to vector<512x16xi32>
    %eq3A_23 = arith.cmpi eq, %iota3A, %eq3A_22 : vector<512x16xi32>
    %jit3A_24 = arith.constant 0xFF800000 : f32
    %broadcast_in_dim3A_25 = vector.broadcast %jit3A_24 : f32 to vector<512x16xf32>
    %select_n3A_26 = arith.select %eq3A_23, %broadcast_in_dim3A_25, %div3A_14 : vector<512x16xi1>, vector<512x16xf32>
    %reduce_max3A_27 = arith.constant dense<0xFF800000> : vector<512xf32>
    %reduce_max3A_28 = vector.multi_reduction <maximumf>, %select_n3A_26, %reduce_max3A_27 [1] : vector<512x16xf32> to vector<512xf32>
    %broadcast_in_dim3A_29 = vector.shape_cast %reduce_max3A_28 : vector<512xf32> to vector<512x1xf32>
    %eq3A_30 = vector.broadcast %broadcast_in_dim3A_29 : vector<512x1xf32> to vector<512x16xf32>
    %eq3A_31 = arith.cmpf oeq, %select_n3A_26, %eq3A_30 : vector<512x16xf32>
    %jit3A_32 = arith.constant 16 : i32
    %broadcast_in_dim3A_33 = vector.broadcast %jit3A_32 : i32 to vector<512x16xi32>
    %select_n3A_34 = arith.select %eq3A_31, %iota3A, %broadcast_in_dim3A_33 : vector<512x16xi1>, vector<512x16xi32>
    %reduce_min3A_35 = arith.constant dense<2147483647> : vector<512xi32>
    %reduce_min3A_36 = vector.multi_reduction <minsi>, %select_n3A_34, %reduce_min3A_35 [1] : vector<512x16xi32> to vector<512xi32>
    %broadcast_in_dim3A_37 = vector.shape_cast %reduce_min3A_36 : vector<512xi32> to vector<512x1xi32>
    %eq3A_38 = vector.broadcast %broadcast_in_dim3A_37 : vector<512x1xi32> to vector<512x16xi32>
    %eq3A_39 = arith.cmpi eq, %iota3A, %eq3A_38 : vector<512x16xi32>
    %add3A_40 = arith.addf %broadcast_in_dim3A_17, %broadcast_in_dim3A_29 : vector<512x1xf32>
    %div3A_41 = arith.divf %broadcast_in_dim3A_17, %add3A_40 : vector<512x1xf32>
    %div3A_42 = arith.divf %broadcast_in_dim3A_29, %add3A_40 : vector<512x1xf32>
    %convert_element_type3A = arith.extui %eq3A_23 : vector<512x16xi1> to vector<512x16xi32>
    %convert_element_type3A_43 = arith.sitofp %convert_element_type3A : vector<512x16xi32> to vector<512x16xf32>
    %convert_element_type3A_44 = arith.extui %eq3A_39 : vector<512x16xi1> to vector<512x16xi32>
    %convert_element_type3A_45 = arith.sitofp %convert_element_type3A_44 : vector<512x16xi32> to vector<512x16xf32>
    %add3A_46 = arith.addf %convert_element_type3A_43, %convert_element_type3A_45 : vector<512x16xf32>
    %iota3A_47 = tpu.iota {dimensions = array<i32: 0>} : vector<512x512xi32>
    %iota3A_48 = tpu.iota {dimensions = array<i32: 1>} : vector<512x512xi32>
    %gt3A = arith.cmpi sgt, %iota3A_47, %iota3A_48 : vector<512x512xi32>
    %convert_element_type3A_49 = arith.extui %gt3A : vector<512x512xi1> to vector<512x512xi32>
    %convert_element_type3A_50 = arith.sitofp %convert_element_type3A_49 : vector<512x512xi32> to vector<512x512xf32>
    %dot_general3A_51 = arith.constant dense<0.000000e+00> : vector<512x16xf32>
    %dot_general3A_52 = tpu.matmul %convert_element_type3A_50, %add3A_46, %dot_general3A_51 {dimension_numbers = #tpu.dot_dimension_numbers<[1], [0], [0], [1], [0, 0, 1, 1], [], []>, transpose_lhs_hint = false} : vector<512x512xf32>, vector<512x16xf32>, vector<512x16xf32> -> vector<512x16xf32>
    %reduce_sum3A_53 = arith.constant dense<0.000000e+00> : vector<16xf32>
    %reduce_sum3A_54 = vector.multi_reduction <add>, %add3A_46, %reduce_sum3A_53 [0] : vector<512x16xf32> to vector<16xf32>
    %broadcast_in_dim3A_55 = vector.shape_cast %reduce_sum3A_54 : vector<16xf32> to vector<1x16xf32>
    %add3A_56 = arith.constant 1.270000e+02 : f32
    %add3A_57 = vector.broadcast %add3A_56 : f32 to vector<1x16xf32>
    %add3A_58 = arith.addf %broadcast_in_dim3A_55, %add3A_57 : vector<1x16xf32>
    %div3A_59 = arith.constant 1.280000e+02 : f32
    %div3A_60 = vector.broadcast %div3A_59 : f32 to vector<1x16xf32>
    %div3A_61 = arith.divf %add3A_58, %div3A_60 : vector<1x16xf32>
    %floor3A = math.floor %div3A_61 : vector<1x16xf32>
    %iota3A_62 = tpu.iota {dimensions = array<i32: 0>} : vector<16x16xi32>
    %iota3A_63 = tpu.iota {dimensions = array<i32: 1>} : vector<16x16xi32>
    %lt3A = arith.cmpi slt, %iota3A_62, %iota3A_63 : vector<16x16xi32>
    %convert_element_type3A_64 = arith.extui %lt3A : vector<16x16xi1> to vector<16x16xi32>
    %convert_element_type3A_65 = arith.sitofp %convert_element_type3A_64 : vector<16x16xi32> to vector<16x16xf32>
    %dot_general3A_66 = arith.constant dense<0.000000e+00> : vector<1x16xf32>
    %dot_general3A_67 = tpu.matmul %floor3A, %convert_element_type3A_65, %dot_general3A_66 {dimension_numbers = #tpu.dot_dimension_numbers<[1], [0], [0], [1], [0, 0, 1, 1], [], []>, transpose_lhs_hint = false} : vector<1x16xf32>, vector<16x16xf32>, vector<1x16xf32> -> vector<1x16xf32>
    %mul3A = arith.constant 1.280000e+02 : f32
    %mul3A_68 = vector.broadcast %mul3A : f32 to vector<1x16xf32>
    %mul3A_69 = arith.mulf %dot_general3A_67, %mul3A_68 : vector<1x16xf32>
    %add3A_70 = vector.broadcast %mul3A_69 : vector<1x16xf32> to vector<512x16xf32>
    %add3A_71 = arith.addf %add3A_70, %dot_general3A_52 : vector<512x16xf32>
    %mul3A_72 = arith.mulf %convert_element_type3A_43, %add3A_71 : vector<512x16xf32>
    %reduce_sum3A_73 = arith.constant dense<0.000000e+00> : vector<512xf32>
    %reduce_sum3A_74 = vector.multi_reduction <add>, %mul3A_72, %reduce_sum3A_73 [1] : vector<512x16xf32> to vector<512xf32>
    %broadcast_in_dim3A_75 = vector.shape_cast %reduce_sum3A_74 : vector<512xf32> to vector<512x1xf32>
    %mul3A_76 = arith.mulf %convert_element_type3A_45, %add3A_71 : vector<512x16xf32>
    %reduce_sum3A_77 = arith.constant dense<0.000000e+00> : vector<512xf32>
    %reduce_sum3A_78 = vector.multi_reduction <add>, %mul3A_76, %reduce_sum3A_77 [1] : vector<512x16xf32> to vector<512xf32>
    %broadcast_in_dim3A_79 = vector.shape_cast %reduce_sum3A_78 : vector<512xf32> to vector<512x1xf32>
    %concatenate3A = tpu.concatenate %broadcast_in_dim3A_75, %broadcast_in_dim3A_79, %div3A_41, %div3A_42 in 1 : vector<512x1xf32>, vector<512x1xf32>, vector<512x1xf32>, vector<512x1xf32> -> vector<512x4xf32>
    %swap3A = arith.constant 0 : index
    %swap3A_80 = arith.constant 0 : index
    %swap3A_81 = vector.load %arg3[%swap3A, %swap3A_80] : memref<512x4xf32, #tpu.memory_space<vmem>>, vector<512x4xf32>
    tpu.vector_store %arg3[%swap3A, %swap3A_80], %concatenate3A {strides = array<i32>} : memref<512x4xf32, #tpu.memory_space<vmem>>, vector<512x4xf32>,
    %broadcast_in_dim3A_82 = arith.constant 1.000000e+00 : f32
    %broadcast_in_dim3A_83 = vector.broadcast %broadcast_in_dim3A_82 : f32 to vector<512x1xf32>
    %dot_general3A_84 = arith.constant dense<0.000000e+00> : vector<16x1xf32>
    %dot_general3A_85 = tpu.matmul %add3A_46, %broadcast_in_dim3A_83, %dot_general3A_84 {dimension_numbers = #tpu.dot_dimension_numbers<[0], [0], [1], [1], [0, 1, 1, 1], [], []>, transpose_lhs_hint = false} : vector<512x16xf32>, vector<512x1xf32>, vector<16x1xf32> -> vector<16x1xf32>
    %add3A_86 = arith.constant 1.270000e+02 : f32
    %add3A_87 = vector.broadcast %add3A_86 : f32 to vector<16x1xf32>
    %add3A_88 = arith.addf %dot_general3A_85, %add3A_87 : vector<16x1xf32>
    %div3A_89 = arith.constant 1.280000e+02 : f32
    %div3A_90 = vector.broadcast %div3A_89 : f32 to vector<16x1xf32>
    %div3A_91 = arith.divf %add3A_88, %div3A_90 : vector<16x1xf32>
    %floor3A_92 = math.floor %div3A_91 : vector<16x1xf32>
    %iota3A_93 = tpu.iota {dimensions = array<i32: 0>} : vector<16x16xi32>
    %iota3A_94 = tpu.iota {dimensions = array<i32: 1>} : vector<16x16xi32>
    %gt3A_95 = arith.cmpi sgt, %iota3A_93, %iota3A_94 : vector<16x16xi32>
    %convert_element_type3A_96 = arith.extui %gt3A_95 : vector<16x16xi1> to vector<16x16xi32>
    %convert_element_type3A_97 = arith.sitofp %convert_element_type3A_96 : vector<16x16xi32> to vector<16x16xf32>
    %dot_general3A_98 = arith.constant dense<0.000000e+00> : vector<16x1xf32>
    %dot_general3A_99 = tpu.matmul %convert_element_type3A_97, %floor3A_92, %dot_general3A_98 {dimension_numbers = #tpu.dot_dimension_numbers<[1], [0], [0], [1], [0, 0, 1, 1], [], []>, transpose_lhs_hint = false} : vector<16x16xf32>, vector<16x1xf32>, vector<16x1xf32> -> vector<16x1xf32>
    %add3A_100 = arith.addf %dot_general3A_99, %floor3A_92 : vector<16x1xf32>
    %reduce_sum3A_101 = vector.shape_cast %floor3A : vector<1x16xf32> to vector<1x1x16xf32>
    %reduce_sum3A_102 = arith.constant dense<0.000000e+00> : vector<1xf32>
    %reduce_sum3A_103 = vector.multi_reduction <add>, %reduce_sum3A_101, %reduce_sum3A_102 [1, 2] : vector<1x1x16xf32> to vector<1xf32>
    %reduce_sum3A_104 = vector.shape_cast %reduce_sum3A_103 : vector<1xf32> to vector<1x1x1xf32>
    %reduce_sum3A_105 = vector.extract %reduce_sum3A_104[0, 0, 0] : f32 from vector<1x1x1xf32>
    %iota3A_106 = tpu.iota {dimensions = array<i32: 1>} : vector<16x32xi32>
    %convert_element_type3A_107 = arith.sitofp %iota3A_106 : vector<16x32xi32> to vector<16x32xf32>
    %sub3A_108 = arith.constant 1.000000e+00 : f32
    %sub3A_109 = arith.subf %reduce_sum3A_105, %sub3A_108 : f32
    %min3A = vector.broadcast %sub3A_109 : f32 to vector<16x32xf32>
    %min3A_110 = arith.minimumf %convert_element_type3A_107, %min3A : vector<16x32xf32>
    %le3A = vector.broadcast %add3A_100 : vector<16x1xf32> to vector<16x32xf32>
    %le3A_111 = arith.cmpf ole, %le3A, %min3A_110 : vector<16x32xf32>
    %convert_element_type3A_112 = arith.extui %le3A_111 : vector<16x32xi1> to vector<16x32xi32>
    %reduce_sum3A_113 = arith.constant dense<0> : vector<32xi32>
    %reduce_sum3A_114 = vector.multi_reduction <add>, %convert_element_type3A_112, %reduce_sum3A_113 [0] : vector<16x32xi32> to vector<32xi32>
    %broadcast_in_dim3A_115 = vector.shape_cast %reduce_sum3A_114 : vector<32xi32> to vector<1x32xi32>
    %iota3A_116 = tpu.iota {dimensions = array<i32: 1>} : vector<1x32xi32>
    %eq3A_117 = arith.constant 31 : i32
    %eq3A_118 = vector.broadcast %eq3A_117 : i32 to vector<1x32xi32>
    %eq3A_119 = arith.cmpi eq, %iota3A_116, %eq3A_118 : vector<1x32xi32>
    %convert_element_type3A_120 = arith.fptosi %reduce_sum3A_105 : f32 to i32
    %broadcast_in_dim3A_121 = vector.broadcast %convert_element_type3A_120 : i32 to vector<1x32xi32>
    %select_n3A_122 = arith.select %eq3A_119, %broadcast_in_dim3A_121, %broadcast_in_dim3A_115 : vector<1x32xi1>, vector<1x32xi32>
    %swap3A_123 = arith.constant 0 : index
    %swap3A_124 = arith.constant 0 : index
    %swap3A_125 = vector.load %arg4[%swap3A_123, %swap3A_124] : memref<1x32xi32, #tpu.memory_space<vmem>>, vector<1x32xi32>
    tpu.vector_store %arg4[%swap3A_123, %swap3A_124], %select_n3A_122 {strides = array<i32>} : memref<1x32xi32, #tpu.memory_space<vmem>>, vector<1x32xi32>,
    return
  }
}

module attributes {stable_mosaic.version = 14 : i64} {
  func.func @_ffn_body(%arg0: i32, %arg1: memref<32xi32, #tpu.memory_space<smem>>, %arg2: memref<1x1x128xi32, #tpu.memory_space<vmem>>, %arg3: memref<1x1x128xf32, #tpu.memory_space<vmem>>, %arg4: memref<512x1024xf32, #tpu.memory_space<vmem>>, %arg5: memref<1x512x1024xf32, #tpu.memory_space<vmem>>, %arg6: memref<1x1024x512xf32, #tpu.memory_space<vmem>>, %arg7: memref<1x512x1024xf32, #tpu.memory_space<vmem>>, %arg8: memref<512x1024xf32, #tpu.memory_space<vmem>>) attributes {dimension_semantics = [#tpu.dimension_semantics<arbitrary>], iteration_bounds = array<i64: 23>, scalar_prefetch = 1 : i64, scratch_operands = 0 : i64, tpu.core_type = #tpu.core_type<tc>, window_params = [{transform_indices = @transform_0, window_bounds = array<i64: 1, 1, 128>}, {transform_indices = @transform_1, window_bounds = array<i64: 1, 1, 128>}, {pipeline_mode = #tpu.pipeline_mode<synchronous>, transform_indices = @transform_2, window_bounds = array<i64: 512, 1024>}, {transform_indices = @transform_3, window_bounds = array<i64: 1, 512, 1024>}, {transform_indices = @transform_4, window_bounds = array<i64: 1, 1024, 512>}, {transform_indices = @transform_5, window_bounds = array<i64: 1, 512, 1024>}, {pipeline_mode = #tpu.pipeline_mode<synchronous>, transform_indices = @transform_6, window_bounds = array<i64: 512, 1024>}]} {
    %get3A = arith.constant 31 : index
    %get3A_0 = memref.load %arg1[%get3A] : memref<32xi32, #tpu.memory_space<smem>>
    %eq3A = arith.constant 0 : i32
    %eq3A_1 = arith.cmpi eq, %arg0, %eq3A : i32
    %convert_element_type3A = arith.extui %eq3A_1 : i1 to i32
    %cond3A = arith.constant 0 : i32
    %cond3A_2 = arith.cmpi ne, %convert_element_type3A, %cond3A : i32
    scf.if %cond3A_2 {
      %broadcast_in_dim3A = arith.constant 0.000000e+00 : f32
      %broadcast_in_dim3A_6 = vector.broadcast %broadcast_in_dim3A : f32 to vector<512x1024xf32>
      %swap3A = arith.constant 0 : index
      %swap3A_7 = arith.constant 0 : index
      %swap3A_8 = vector.load %arg8[%swap3A, %swap3A_7] : memref<512x1024xf32, #tpu.memory_space<vmem>>, vector<512x1024xf32>
      tpu.vector_store %arg8[%swap3A, %swap3A_7], %broadcast_in_dim3A_6 {strides = array<i32>} : memref<512x1024xf32, #tpu.memory_space<vmem>>, vector<512x1024xf32>,
    } else {
    }
    %lt3A = arith.cmpi slt, %arg0, %get3A_0 : i32
    %convert_element_type3A_3 = arith.extui %lt3A : i1 to i32
    %cond3A_4 = arith.constant 0 : i32
    %cond3A_5 = arith.cmpi ne, %convert_element_type3A_3, %cond3A_4 : i32
    scf.if %cond3A_5 {
      %get3A_6 = arith.constant 0 : index
      %get3A_7 = arith.constant 0 : index
      %get3A_8 = arith.constant 0 : index
      %get3A_9 = vector.load %arg2[%get3A_6, %get3A_7, %get3A_8] : memref<1x1x128xi32, #tpu.memory_space<vmem>>, vector<1x1x128xi32>
      %get3A_10 = vector.shape_cast %get3A_9 : vector<1x1x128xi32> to vector<1x128xi32>
      %iota3A = tpu.iota {dimensions = array<i32: 0>} : vector<512x128xi32>
      %eq3A_11 = vector.broadcast %get3A_10 : vector<1x128xi32> to vector<512x128xi32>
      %eq3A_12 = arith.cmpi eq, %eq3A_11, %iota3A : vector<512x128xi32>
      %convert_element_type3A_13 = arith.extui %eq3A_12 : vector<512x128xi1> to vector<512x128xi32>
      %convert_element_type3A_14 = arith.sitofp %convert_element_type3A_13 : vector<512x128xi32> to vector<512x128xf32>
      %get3A_15 = arith.constant 0 : index
      %get3A_16 = arith.constant 0 : index
      %get3A_17 = vector.load %arg4[%get3A_15, %get3A_16] : memref<512x1024xf32, #tpu.memory_space<vmem>>, vector<512x1024xf32>
      %dot_general3A = arith.constant dense<0.000000e+00> : vector<128x1024xf32>
      %dot_general3A_18 = tpu.matmul %convert_element_type3A_14, %get3A_17, %dot_general3A {dimension_numbers = #tpu.dot_dimension_numbers<[0], [0], [1], [1], [0, 1, 1, 1], [], []>, transpose_lhs_hint = false} : vector<512x128xf32>, vector<512x1024xf32>, vector<128x1024xf32> -> vector<128x1024xf32>
      %get3A_19 = arith.constant 0 : index
      %get3A_20 = arith.constant 0 : index
      %get3A_21 = arith.constant 0 : index
      %get3A_22 = vector.load %arg5[%get3A_19, %get3A_20, %get3A_21] : memref<1x512x1024xf32, #tpu.memory_space<vmem>>, vector<1x512x1024xf32>
      %get3A_23 = vector.shape_cast %get3A_22 : vector<1x512x1024xf32> to vector<512x1024xf32>
      %dot_general3A_24 = arith.constant dense<0.000000e+00> : vector<128x512xf32>
      %dot_general3A_25 = tpu.matmul %dot_general3A_18, %get3A_23, %dot_general3A_24 {dimension_numbers = #tpu.dot_dimension_numbers<[1], [1], [0], [0], [0, 0, 1, 0], [], []>, transpose_lhs_hint = false} : vector<128x1024xf32>, vector<512x1024xf32>, vector<128x512xf32> -> vector<128x512xf32>
      %get3A_26 = arith.constant 0 : index
      %get3A_27 = arith.constant 0 : index
      %get3A_28 = arith.constant 0 : index
      %get3A_29 = vector.load %arg7[%get3A_26, %get3A_27, %get3A_28] : memref<1x512x1024xf32, #tpu.memory_space<vmem>>, vector<1x512x1024xf32>
      %get3A_30 = vector.shape_cast %get3A_29 : vector<1x512x1024xf32> to vector<512x1024xf32>
      %dot_general3A_31 = arith.constant dense<0.000000e+00> : vector<128x512xf32>
      %dot_general3A_32 = tpu.matmul %dot_general3A_18, %get3A_30, %dot_general3A_31 {dimension_numbers = #tpu.dot_dimension_numbers<[1], [1], [0], [0], [0, 0, 1, 0], [], []>, transpose_lhs_hint = false} : vector<128x1024xf32>, vector<512x1024xf32>, vector<128x512xf32> -> vector<128x512xf32>
      %logistic3A = arith.negf %dot_general3A_25 : vector<128x512xf32>
      %logistic3A_33 = math.exp %logistic3A : vector<128x512xf32>
      %logistic3A_34 = arith.constant 1.000000e+00 : f32
      %logistic3A_35 = vector.broadcast %logistic3A_34 : f32 to vector<128x512xf32>
      %logistic3A_36 = arith.addf %logistic3A_35, %logistic3A_33 : vector<128x512xf32>
      %logistic3A_37 = arith.divf %logistic3A_35, %logistic3A_36 : vector<128x512xf32>
      %mul3A = arith.mulf %dot_general3A_25, %logistic3A_37 : vector<128x512xf32>
      %mul3A_38 = arith.mulf %mul3A, %dot_general3A_32 : vector<128x512xf32>
      %get3A_39 = arith.constant 0 : index
      %get3A_40 = arith.constant 0 : index
      %get3A_41 = arith.constant 0 : index
      %get3A_42 = vector.load %arg6[%get3A_39, %get3A_40, %get3A_41] : memref<1x1024x512xf32, #tpu.memory_space<vmem>>, vector<1x1024x512xf32>
      %get3A_43 = vector.shape_cast %get3A_42 : vector<1x1024x512xf32> to vector<1024x512xf32>
      %dot_general3A_44 = arith.constant dense<0.000000e+00> : vector<128x1024xf32>
      %dot_general3A_45 = tpu.matmul %mul3A_38, %get3A_43, %dot_general3A_44 {dimension_numbers = #tpu.dot_dimension_numbers<[1], [1], [0], [0], [0, 0, 1, 0], [], []>, transpose_lhs_hint = false} : vector<128x512xf32>, vector<1024x512xf32>, vector<128x1024xf32> -> vector<128x1024xf32>
      %get3A_46 = arith.constant 0 : index
      %get3A_47 = arith.constant 0 : index
      %get3A_48 = arith.constant 0 : index
      %get3A_49 = vector.load %arg3[%get3A_46, %get3A_47, %get3A_48] : memref<1x1x128xf32, #tpu.memory_space<vmem>>, vector<1x1x128xf32>
      %get3A_50 = vector.shape_cast %get3A_49 : vector<1x1x128xf32> to vector<1x128xf32>
      %mul3A_51 = vector.broadcast %get3A_50 : vector<1x128xf32> to vector<512x128xf32>
      %mul3A_52 = arith.mulf %convert_element_type3A_14, %mul3A_51 : vector<512x128xf32>
      %get3A_53 = arith.constant 0 : index
      %get3A_54 = arith.constant 0 : index
      %get3A_55 = vector.load %arg8[%get3A_53, %get3A_54] : memref<512x1024xf32, #tpu.memory_space<vmem>>, vector<512x1024xf32>
      %dot_general3A_56 = arith.constant dense<0.000000e+00> : vector<512x1024xf32>
      %dot_general3A_57 = tpu.matmul %mul3A_52, %dot_general3A_45, %dot_general3A_56 {dimension_numbers = #tpu.dot_dimension_numbers<[1], [0], [0], [1], [0, 0, 1, 1], [], []>, transpose_lhs_hint = false} : vector<512x128xf32>, vector<128x1024xf32>, vector<512x1024xf32> -> vector<512x1024xf32>
      %add3A = arith.addf %get3A_55, %dot_general3A_57 : vector<512x1024xf32>
      %swap3A = arith.constant 0 : index
      %swap3A_58 = arith.constant 0 : index
      %swap3A_59 = vector.load %arg8[%swap3A, %swap3A_58] : memref<512x1024xf32, #tpu.memory_space<vmem>>, vector<512x1024xf32>
      tpu.vector_store %arg8[%swap3A, %swap3A_58], %add3A {strides = array<i32>} : memref<512x1024xf32, #tpu.memory_space<vmem>>, vector<512x1024xf32>,
    } else {
    }
    return
  }
  func.func @transform_0(%arg0: i32, %arg1: memref<32xi32, #tpu.memory_space<smem>>) -> (i32, i32, i32) {
    %c0_i32 = arith.constant 0 : i32
    %c0_i32_0 = arith.constant 0 : i32
    %c0_i32_1 = arith.constant 0 : i32
    return %arg0, %c0_i32, %c0_i32_0 : i32, i32, i32
  }
  func.func @transform_1(%arg0: i32, %arg1: memref<32xi32, #tpu.memory_space<smem>>) -> (i32, i32, i32) {
    %c0_i32 = arith.constant 0 : i32
    %c0_i32_0 = arith.constant 0 : i32
    %c0_i32_1 = arith.constant 0 : i32
    return %arg0, %c0_i32, %c0_i32_0 : i32, i32, i32
  }
  func.func @transform_2(%arg0: i32, %arg1: memref<32xi32, #tpu.memory_space<smem>>) -> (i32, i32) {
    %c0_i32 = arith.constant 0 : i32
    %c0_i32_0 = arith.constant 0 : i32
    %c0_i32_1 = arith.constant 0 : i32
    return %c0_i32, %c0_i32_0 : i32, i32
  }
  func.func @transform_3(%arg0: i32, %arg1: memref<32xi32, #tpu.memory_space<smem>>) -> (i32, i32, i32) {
    %get3A = arith.index_cast %arg0 : i32 to index
    %get3A_0 = memref.load %arg1[%get3A] : memref<32xi32, #tpu.memory_space<smem>>
    %c0_i32 = arith.constant 0 : i32
    %c0_i32_1 = arith.constant 0 : i32
    %c0_i32_2 = arith.constant 0 : i32
    return %get3A_0, %c0_i32, %c0_i32_1 : i32, i32, i32
  }
  func.func @transform_4(%arg0: i32, %arg1: memref<32xi32, #tpu.memory_space<smem>>) -> (i32, i32, i32) {
    %get3A = arith.index_cast %arg0 : i32 to index
    %get3A_0 = memref.load %arg1[%get3A] : memref<32xi32, #tpu.memory_space<smem>>
    %c0_i32 = arith.constant 0 : i32
    %c0_i32_1 = arith.constant 0 : i32
    %c0_i32_2 = arith.constant 0 : i32
    return %get3A_0, %c0_i32, %c0_i32_1 : i32, i32, i32
  }
  func.func @transform_5(%arg0: i32, %arg1: memref<32xi32, #tpu.memory_space<smem>>) -> (i32, i32, i32) {
    %get3A = arith.index_cast %arg0 : i32 to index
    %get3A_0 = memref.load %arg1[%get3A] : memref<32xi32, #tpu.memory_space<smem>>
    %c0_i32 = arith.constant 0 : i32
    %c0_i32_1 = arith.constant 0 : i32
    %c0_i32_2 = arith.constant 0 : i32
    return %get3A_0, %c0_i32, %c0_i32_1 : i32, i32, i32
  }
  func.func @transform_6(%arg0: i32, %arg1: memref<32xi32, #tpu.memory_space<smem>>) -> (i32, i32) {
    %c0_i32 = arith.constant 0 : i32
    %c0_i32_0 = arith.constant 0 : i32
    %c0_i32_1 = arith.constant 0 : i32
    return %c0_i32, %c0_i32_0 : i32, i32
  }
}

</mosaic_0001>

<sc_bundles>
// kernel: kernel.5.cloned.1.call-start
scs
__scs_entry_jumppad:
0x0: {  	(pc) =	sbr.rel $0x88, $3  }
0x1: {  	(tag) =	ssettag $0x0;
	lr =	simm.s32 $0x1  }
0x2: {  	[smem:$0x3F9B] =	sst lr;
	_ =	strace $0xD0000000  }
0x3: {  	_ = 	snop  }
0x4: {  	_ = 	snop  }
0x5: {  	_ = 	snop  }
0x6: {  	_ = 	snop  }
0x7: {  	_ = 	snop  }
__scs_overlays_trampoline_lowered:
0x8: {  	[smem:$0x3FAA] =	sst s0  }
0x9: {  	[smem:$0x3FAB] =	sst s1  }
0xa: {  	[smem:$0x3FAC] =	sst s2  }
0xb: {  	[smem:$0x3FAD] =	sst s3  }
0xc: {  	[smem:$0x3FAE] =	sst s4  }
0xd: {  	[smem:$0x3FAF] =	sst s5  }
0xe: {  	[smem:$0x3FB0] =	sst s6  }
0xf: {  	[smem:$0x3FB1] =	sst s7  }
0x10: {  	[smem:$0x3FB2] =	sst s8  }
0x11: {  	[smem:$0x3FB3] =	sst s9;
	s0 =	simm.s32 @!p0 $0x0  }
0x12: {  	s1 =	sld [smem:$0x3F99];
	s0 =	simm.s32 @p0 $0x1  }
0x13: {  	[smem:$0x3FB4] =	sst s0;
	s0 =	simm.s32 @!p1 $0x0  }
0x14: {  	s2 =	sld [smem:$0x3F98];
	s0 =	simm.s32 @p1 $0x1  }
0x15: {  	[smem:$0x3FB5] =	sst s0;
	s0 =	simm.s32 @!p2 $0x0  }
0x16: {  	s3 =	sld [smem:$0x3FDB];
	s0 =	simm.s32 @p2 $0x1  }
0x17: {  	s4 =	simm.s32 $0x1BF5;
	[smem:$0x3FB7] =	sst s0  }
0x18: {  	s0 =	sld [smem:$0x3F9A];
	_ =	swait.ge [sflag:s4], $0x0  }
0x19: {  	s7 =	sld [smem:$0x3F9B]  }
0x1a: {  	s8 =	sadd.s32 $0xFFFFE003, lr  }
0x1b: {  	s9 =	sadd.s32 $0xFFFFFEF7, lr;
	s5 =	simm.s32 $0xFFFFFFFF;
	p2 =	slt.u32 s8, $0xFFFFF086  }
0x1c: {  	p1 =	slt.u32 s9, $0xF7A;
	s5 =	simm.s32 @!p2 $0x0  }
0x1d: {  	s5 =	simm.s32 @p1 $0x1;
	p0 =	seq.s32 s7, s2  }
0x1e: {  	s7 =	smul.u32 @!p0 $0xF7A, s2;
	p2 =	seq.s32 @!p0 s5, $0x0  }
0x1f: {  	s9 =	smul.u32 $0xF7A, s1;
	s8 =	simm.s32 @!p0 $0x1BF5;
	p2 =	por !p2, p0  }
0x20: {  	[sflag:s8] =	ssyncset.s32 @!p0 $0xFFFFF086;
	s6 =	sadd.s32 @!p0 s3, s7;
	s7 =	simm.s32 @!p0 $0x108  }
0x21: {  	s3 =	sadd.s32 s3, s9;
	s6 =	sadd.s32 @!p0 $0x88, s6;
	s7 =	simm.s32 @p2 $0x1082  }
0x22: {  	[simem:s7], [sflag:s8] =	dma.local @!p0 [hbm:s6], $0xF7A  }
0x23: {  	s9 =	sor.u32 $0xD0000000, s2;
	s6 =	simm.s32 $0x108;
	_ =	swait.ge @!p0 [sflag:s8], $0x0  }
0x24: {  	s3 =	sadd.s32 $0x88, s3;
	s6 =	simm.s32 @!p1 $0x1082;
	[sflag:s4] =	ssyncset.s32 $0xFFFFF086  }
0x25: {  	[simem:s6], [sflag:s4] =	dma.local [hbm:s3], $0xF7A  }
0x26: {  	[smem:$0x3F9B] =	sst s1;
	(tag) =	ssettag s2;
	_ =	strace s9  }
0x27: {  	s1 =	sld [smem:$0x3FAB]  }
0x28: {  	s2 =	sld [smem:$0x3FAC]  }
0x29: {  	s4 =	sld [smem:$0x3FAE]  }
0x2a: {  	p0 =	seq.s32 s5, $0x0;
	s5 =	sld [smem:$0x3FAF]  }
0x2b: {  	s6 =	sld [smem:$0x3FB0]  }
0x2c: {  	s7 =	sld [smem:$0x3FB1]  }
0x2d: {  	s3 =	simm.s32 $0x108;
	s8 =	sld [smem:$0x3FB2]  }
0x2e: {  	s3 =	simm.s32 @!p0 $0x1082;
	s9 =	sld [smem:$0x3FB3]  }
0x2f: {  	lr =	sadd.s32 s0, s3;
	s0 =	sld [smem:$0x3FAA]  }
0x30: {  	s3 =	sld [smem:$0x3FAD]  }
0x31: {  	[smem:$0x3FB6] =	sst s10  }
0x32: {  	s10 =	sld [smem:$0x3FB4];
	_ =	sdelay $0x3  }
0x33: {  	p0 =	seq.s32 s10, $0x1;
	s10 =	sld [smem:$0x3FB6];
	_ =	sdelay $0x3  }
0x34: {  	[smem:$0x3FB6] =	sst s10  }
0x35: {  	s10 =	sld [smem:$0x3FB5];
	_ =	sdelay $0x3  }
0x36: {  	p1 =	seq.s32 s10, $0x1;
	s10 =	sld [smem:$0x3FB6];
	_ =	sdelay $0x3  }
0x37: {  	[smem:$0x3FB6] =	sst s10  }
0x38: {  	s10 =	sld [smem:$0x3FB7]  }
0x39: {  	_ = 	snop;
	(pc) =	sbr.ind lr, $3  }
0x3a: {  	_ = 	snop  }
0x3b: {  	_ = 	snop  }
0x3c: {  	p2 =	seq.s32 s10, $0x1;
	s10 =	sld [smem:$0x3FB6]  }
0x3d: {  	_ =	shalt  }
0x3e: {  	_ =	shalt  }
0x3f: {  	_ =	shalt  }
0x40: {  	_ =	shalt  }
0x41: {  	_ =	shalt  }
0x42: {  	_ =	shalt  }
0x43: {  	_ =	shalt  }
0x44: {  	_ =	shalt  }
0x45: {  	_ =	shalt  }
0x46: {  	_ =	shalt  }
0x47: {  	_ =	shalt  }
0x48: {  	_ =	shalt  }
0x49: {  	_ =	shalt  }
0x4a: {  	_ =	shalt  }
0x4b: {  	_ =	shalt  }
0x4c: {  	_ =	shalt  }
0x4d: {  	_ =	shalt  }
0x4e: {  	_ =	shalt  }
0x4f: {  	_ =	shalt  }
0x50: {  	_ =	shalt  }
0x51: {  	_ =	shalt  }
0x52: {  	_ =	shalt  }
0x53: {  	_ =	shalt  }
0x54: {  	_ =	shalt  }
0x55: {  	_ =	shalt  }
0x56: {  	_ =	shalt  }
0x57: {  	_ =	shalt  }
0x58: {  	_ =	shalt  }
0x59: {  	_ =	shalt  }
0x5a: {  	_ =	shalt  }
0x5b: {  	_ =	shalt  }
0x5c: {  	_ =	shalt  }
0x5d: {  	_ =	shalt  }
0x5e: {  	_ =	shalt  }
0x5f: {  	_ =	shalt  }
0x60: {  	_ =	shalt  }
0x61: {  	_ =	shalt  }
0x62: {  	_ =	shalt  }
0x63: {  	_ =	shalt  }
0x64: {  	_ =	shalt  }
0x65: {  	_ =	shalt  }
0x66: {  	_ =	shalt  }
0x67: {  	_ =	shalt  }
0x68: {  	_ =	shalt  }
0x69: {  	_ =	shalt  }
0x6a: {  	_ =	shalt  }
0x6b: {  	_ =	shalt  }
0x6c: {  	_ =	shalt  }
0x6d: {  	_ =	shalt  }
0x6e: {  	_ =	shalt  }
0x6f: {  	_ =	shalt  }
0x70: {  	_ =	shalt  }
0x71: {  	_ =	shalt  }
0x72: {  	_ =	shalt  }
0x73: {  	_ =	shalt  }
0x74: {  	_ =	shalt  }
0x75: {  	_ =	shalt  }
0x76: {  	_ =	shalt  }
0x77: {  	_ =	shalt  }
0x78: {  	_ =	shalt  }
0x79: {  	_ =	shalt  }
0x7a: {  	_ =	shalt  }
0x7b: {  	_ =	shalt  }
0x7c: {  	_ =	shalt  }
0x7d: {  	_ =	shalt  }
0x7e: {  	_ =	shalt  }
0x7f: {  	_ =	shalt  }
0x80: {  	_ =	shalt  }
0x81: {  	_ =	shalt  }
0x82: {  	_ =	shalt  }
0x83: {  	_ =	shalt  }
0x84: {  	_ =	shalt  }
0x85: {  	_ =	shalt  }
0x86: {  	_ =	shalt  }
0x87: {  	_ =	shalt  }
.Lfunc_end0:
.L_simem_size_0:
called_computation_lowered:
.L_overlay_start_0:
0x88: {  	s2 =	sld [smem:$0x3FD9]  }
0x89: {  	s3 =	sld [smem:$0x3FFE];
	_ =	sdelay $0x1  }
0x8a: {  	s1 =	srdreg.scid  }
0x8b: {  	s0 =	sand.u32 $0x1, s1  }
0x8c: {  	s17 =	sshll.u32 s0, $0xA;
	s2 =	sadd.s32 s3, s2  }
0x8d: {  	s2 =	sadd.s32 s2, s17  }
0x8e: {  	[smem:$0x3FC2] =	sst s2  }
0x8f: {  	_ = 	snop  }
0x90: {  	s2 =	sld [smem:$0x3FD0];
	(tm) =	ssettm $0x1  }
0x91: {  	s18 =	sld [smem:$0x3FFB];
	_ =	sdelay $0x3  }
0x92: {  	_ =	strace s18  }
0x93: {  	s3 =	sld [smem:$0x3FFC];
	_ =	sdelay $0x3  }
0x94: {  	_ =	strace s3  }
0x95: {  	s3 =	sld [smem:$0x3FFD];
	_ =	sdelay $0x3  }
0x96: {  	_ =	strace s3  }
0x97: {  	_ =	strace $0x8FFFFFFF  }
0x98: {  	s19 =	sld [smem:$0x3FDB];
	_ =	sdelay $0x1  }
0x99: {  	s4 =	simm.s32 $_scs_section_size  }
0x9a: {  	s5 =	simm.s32 $_size__tile_overlayer_lowered;
	s6 =	simm.s32 $_tile_overlayer_lowered  }
0x9b: {  	s22 =	simm.s32 $0x1BFF;
	s21 =	sshll.u32 s6, $0x1;
	s3 =	sadd.s32 s4, s19  }
0x9c: {  	s7 =	simm.s32 $0x0;
	s20 =	sshll.u32 s5, $0x1;
	s5 =	sadd.s32 s21, s3  }
0x9d: {  	[timem:s7], [sflag:s22] =	dma.local [hbm:s5], s20  }
0x9e: {  	_ =	swait.ge [sflag:s22], s20  }
0x9f: {  	s4 =	ssub.s32 $0x0, s20;
	[sflag:s22] =	ssyncset.done $0x0  }
0xa0: {  	[sflag:s22] =	ssyncadd.s32 s4;
	_ =	sdelay $0x1  }
0xa1: {  	s23 =	simm.s32 $0x1B8B  }
0xa2: {  	_ =	swait.ge [sflag:s23], $0x1  }
0xa3: {  	[sflag:s23] =	ssyncset.done $0x0  }
0xa4: {  	s25 =	simm.s32 $0x1B8E;
	s24 =	sld [smem:$0x3FFE];
	[sflag:s23] =	ssyncadd.s32 $0xFFFFFFFF  }
0xa5: {  	s26 =	simm.s32 $execute0_lowered;
	[smem:$0x3FD2] =	sst s25  }
0xa6: {  	s5 =	sshll.u32 s26, $0x1;
	_ =	strace $0x80000046;
	[dreg:$0x1] =	wrdreg $0xFFFFFFFF  }
0xa7: {  	s28 =	simm.s32 $_size_execute0_lowered;
	s3 =	sadd.s32 s3, s5;
	[dreg:$0x0] =	wrdreg $0x0  }
0xa8: {  	s5 =	sshll.u32 s28, $0x1;
	[dreg:$0x2] =	wrdreg s3  }
0xa9: {  	[dreg:$0x3] =	wrdreg s5  }
0xaa: {  	[dreg:$0x4] =	wrdreg $0xC0  }
0xab: {  	_ =	task [dreg:s7], $0x5FFFF  }
0xac: {  	[dreg:$0x1] =	wrdreg $0xFFFFFFFF  }
0xad: {  	[dreg:$0x0] =	wrdreg $0x60  }
0xae: {  	[dreg:$0x2] =	wrdreg s24  }
0xaf: {  	[dreg:$0x3] =	wrdreg s2  }
0xb0: {  	[dreg:$0x4] =	wrdreg $0x9  }
0xb1: {  	_ =	task.clear_ibuf [dreg:s7], $0x5FFFF;
	_ =	strace $0x90000046  }
0xb2: {  	s29 =	simm.s32 $0x9;
	_ =	strace $0x80000048  }
0xb3: {  	_ =	swait.ge [sflag:s29], $0x1  }
0xb4: {  	[sflag:s29] =	ssyncadd.s32 $0xFFFFFFFF  }
0xb5: {  	_ =	strace $0x90000048  }
0xb6: {  	_ =	sfence  }
0xb7: {  	s30 =	sld [smem:$0x0];
	_ =	sdelay $0x2  }
0xb8: {  	s31 =	sshll.u32 s1, $0xD;
	s1 =	sshrl.u32 s1, $0x2  }
0xb9: {  	s3 =	sand.u32 $0x4000, s31;
	s1 =	sadd.s32 s1, s30  }
0xba: {  	s0 =	sor.u32 s3, s0;
	s1 =	sshll.u32 s1, $0x11  }
0xbb: {  	s0 =	sor.u32 s1, s0  }
0xbc: {  	s0 =	sadd.s32 $0x8F2B, s0  }
0xbd: {  	[sflag:s0] =	ssyncadd.remote.s32 $0x1  }
0xbe: {  	_ =	sfence.sel $0xFFFF  }
0xbf: {  	[dreg:$0x0] =	wrdreg $0xFFFFFFFF;
	(pc) =	sbr.abs _section_cstart, $3  }
0xc0: {  	[dreg:$0x1] =	wrdreg $0xFFFFFFFF  }
0xc1: {  	_ =	task.clear_ibuf [dreg:s7], $0x2FFFF;
	_ =	strace $0x9FFFFFFF  }
0xc2: {  	(tm) =	ssettm $0x7FFFFFFF  }
0xc3: {  	_ =	shalt  }
tec
execute0_lowered:
.L_overlay_start_1:
0x0: {  	(tag) =	ssettag $0x1  }
0x1: {  	s0 =	srdreg.scid  }
0x2: {  	s6 =	sand.u32 $0x1, s0;
	s0 =	stileid.u32  }
0x3: {  	s3 =	sor.u32 s0, s6  }
0x4: {  	p0 =	sne.s32 s3, $0x0  }
.Ltmp0:
0x5: {  	_ = 	snop;
	(pc) =	sbr.rel @p0 .LBB2_5-.Ltmp0, $4  }
0x6: {  	_ = 	snop  }
0x7: {  	s8 =	rddreg [dreg:$0x0]  }
0x8: {  	s2 =	rddreg [dreg:$0x1]  }
0x9: {  	s1 =	rddreg [dreg:$0x2];
	_ =	strace $0x80000047  }
0xa: {  	s3 =	sadd.s32 $0x1400, s8  }
0xb: {  	s4 =	sadd.s32 $0x1200, s8;
	s5 =	sadd.s32 $0x1000, s8;
	s9 =	ssub.s32 $0x2, s6  }
0xc: {  	s6 =	sadd.s32 $0x1600, s8;
	s7 =	sadd.s32 $0x1800, s8;
	s8 =	sadd.s32 $0x1A00, s8  }
0xd: {  	s11 =	simm.s32 $0x1;
	s12 =	simm.s32 $0x400;
	s13 =	simm.s32 $0x800  }
0xe: {  	s14 =	simm.s32 $0xC00;
	s15 =	simm.s32 $0x1780;
	s10 =	sshrl.u32 s9, $0x1  }
0xf: {  	s16 =	simm.s32 $0x0;
	s9 =	ssub.s32 s9, s10;
	s10 =	simm.s32 $0x0  }
.LBB2_2:
0x10: {  	[tilespmem:s10], [sflag:$0x1] =	stream.linear.gather [hbm4b:s3+s10], $0x400, $0x38;
	[tilespmem:$0x2300] =	vst v63  }
0x11: {  	_ =	swait.ge [sflag:s11], $0x400  }
0x12: {  	[sflag:s11] =	ssyncset.done $0x0  }
0x13: {  	[sflag:s11] =	ssyncadd.s32 $0xFFFFFC00  }
0x14: {  	[tilespmem:s12], [sflag:$0x1] =	stream.linear.gather [hbm4b:s4+s10], $0x400, $0x38;
	[tilespmem:$0x2300] =	vst v63  }
0x15: {  	_ =	swait.ge [sflag:s11], $0x400  }
0x16: {  	[sflag:s11] =	ssyncset.done $0x0  }
0x17: {  	[sflag:s11] =	ssyncadd.s32 $0xFFFFFC00  }
0x18: {  	[tilespmem:s13], [sflag:$0x1] =	stream.linear.gather [hbm4b:s5+s10], $0x400, $0x38;
	[tilespmem:$0x2300] =	vst v63  }
0x19: {  	_ =	swait.ge [sflag:s11], $0x400  }
0x1a: {  	[sflag:s11] =	ssyncset.done $0x0  }
0x1b: {  	[sflag:s11] =	ssyncadd.s32 $0xFFFFFC00  }
0x1c: {  	[tilespmem:s14], [sflag:$0x1] =	stream.linear.gather [hbm4b:s2+s10], $0xB80, $0x38;
	[tilespmem:$0x2300] =	vst v63  }
0x1d: {  	_ =	swait.ge [sflag:s11], $0xB80  }
0x1e: {  	[sflag:s11] =	ssyncset.done $0x0  }
0x1f: {  	[sflag:s11] =	ssyncadd.s32 $0xFFFFF480  }
0x20: {  	[tilespmem:s15], [sflag:$0x1] =	stream.linear.gather [hbm4b:s6+s10], $0xB80, $0x38;
	[tilespmem:$0x2300] =	vst v63  }
0x21: {  	_ =	swait.ge [sflag:s11], $0xB80  }
0x22: {  	[sflag:s11] =	ssyncset.done $0x0  }
0x23: {  	s18 =	simm.s32 $0x0;
	[sflag:s11] =	ssyncadd.s32 $0xFFFFF480  }
0x24: {  	s17 =	simm.s32 $0x40;
	v0 =	vld [tilespmem:s18+$0x0]  }
.LBB2_3:
0x25: {  	p0 =	sne.s32 s17, $0xFC0;
	_ =	sdelay $0x1  }
0x26: {  	v1 =	vld [tilespmem:s18+$0x800]  }
0x27: {  	v2 =	vld [tilespmem:s18+$0x400];
	_ =	sdelay $0x1  }
.Ltmp1:
0x28: {  	(pc) =	sbr.rel @p0 .LBB2_3-.Ltmp1, $4  }
0x29: {  	_ = 	snop  }
0x2a: {  	[tilespmem:v0+s14+$0x0] =	vst.idx.msk $0xffff, v1  }
0x2b: {  	s18 =	sshra.s32 s17, $0x2;
	[tilespmem:v0+s15+$0x0] =	vst.idx.msk $0xffff, v2  }
0x2c: {  	s17 =	sadd.s32 $0x40, s17;
	v0 =	vld [tilespmem:s18+$0x0]  }
0x2d: {  	_ =	sdelay $0x2  }
0x2e: {  	v1 =	vld [tilespmem:s18+$0x800]  }
0x2f: {  	v2 =	vld [tilespmem:s18+$0x400];
	_ =	sdelay $0x3  }
0x30: {  	[tilespmem:v0+s14+$0x0] =	vst.idx.msk $0xffff, v1  }
0x31: {  	[tilespmem:v0+s15+$0x0] =	vst.idx.msk $0xffff, v2  }
0x32: {  	[hbm4b:s7+s10] =	stream.linear.scatter [tilespmem:s14], [sflag:$0x1], $0xB80, $0x38;
	[tilespmem:$0x2300] =	vst v63  }
0x33: {  	s16 =	sadd.s32 $0x1, s16;
	_ =	swait.ge [sflag:s11], $0xB80  }
0x34: {  	p0 =	sne.s32 s16, s9;
	[sflag:s11] =	ssyncset.done $0x0  }
.Ltmp2:
0x35: {  	[sflag:s11] =	ssyncadd.s32 $0xFFFFF480;
	(pc) =	sbr.rel @p0 .LBB2_2-.Ltmp2, $4  }
0x36: {  	[hbm4b:s8+s10] =	stream.linear.scatter [tilespmem:s15], [sflag:$0x1], $0xB80, $0x38;
	[tilespmem:$0x2300] =	vst v63  }
0x37: {  	_ =	swait.ge [sflag:s11], $0xB80  }
0x38: {  	[sflag:s11] =	ssyncset.done $0x0  }
0x39: {  	[sflag:s11] =	ssyncadd.s32 $0xFFFFF480  }
.LBB2_5:
0x3a: {  	_ =	sfence.sel $0x180000  }
0x3b: {  	[bflag:$0x0] =	sbarrier.arrive $0xFFFF  }
0x3c: {  	p0 =	sne.s32 s0, $0x0;
	_ =	strace $0x90000047  }
0x3d: {  	s0 =	sadd.s32 @!p0 $0x100000, s1;
	[bflag:$0x2] =	sbarrier.arrive $0xFFFF  }
0x3e: {  	[sflag:s0] =	ssyncadd.tile.s32 @!p0 $0x1;
	_ =	shalt  }
.Lfunc_end2:
_tile_overlayer_lowered:
.L_overlay_start_2:
0x3f: {  	(tag) =	ssettag $0x2  }
0x40: {  	s0 =	rddreg [dreg:$0x0];
	s2 =	stileid.u32  }
0x41: {  	s1 =	rddreg [dreg:$0x1];
	p0 =	sne.s32 s2, $0x0  }
0x42: {  	s3 =	rddreg [dreg:$0x2];
	[bflag:$0x3] =	sbarrier.arrive $0xFFFF;
	s2 =	simm.s32 @!p0 $0x1C01  }
0x43: {  	[timem:s3], [sflag:s2] =	dma.local @!p0 [hbm:s0], s1  }
0x44: {  	s0 =	simm.s32 @!p0 $0x1  }
0x45: {  	_ =	swait.ge @!p0 [sflag:s0], s1  }
0x46: {  	s1 =	ssub.s32 @!p0 $0x0, s1;
	[sflag:s0] =	ssyncset.done @!p0 $0x0  }
0x47: {  	[sflag:s0] =	ssyncadd.s32 @!p0 s1  }
0x48: {  	[bflag:$0x3] =	sbarrier.arrive $0xFFFF  }
0x49: {  	_ =	shalt  }

</sc_bundles>
